<compile_context>
chip_gen: v7x
topology: tpu7x:2x2x1
jax: 0.10.2.dev20260603
libtpu: 0.0.44.dev20260713+nightly
codegen_flags: <defaults>
</compile_context>

<pallas_src>
import functools

import jax
import jax.numpy as jnp
from jax import lax
from jax.experimental import pallas as pl
from jax.experimental.pallas import tpu as pltpu
from jax.experimental.pallas import tpu_sc as plsc

_NB = 8192
_CD = 256
_TM = 256


def _dist_argmin_body(n_total, x_ref, cb_ref, cn_ref, idx_ref, loss_ref,
                      acc_ref):
    i = pl.program_id(0)
    xt = x_ref[...]
    mm = lax.dot_general(xt, cb_ref[...], (((1,), (1,)), ((), ())),
                         preferred_element_type=jnp.float32)
    xn = jnp.sum(xt * xt, axis=1, keepdims=True)
    d = xn - 2.0 * mm + cn_ref[...]
    m = jnp.min(d, axis=1, keepdims=True)
    col = lax.broadcasted_iota(jnp.int32, d.shape, 1)
    idx_ref[...] = jnp.min(jnp.where(d == m, col, _NB), axis=1)

    @pl.when(i == 0)
    def _init():
        acc_ref[0] = 0.0

    acc_ref[0] += jnp.sum(m)

    @pl.when(i == pl.num_programs(0) - 1)
    def _fin():
        loss_ref[0] = acc_ref[0] / float(n_total * _CD)


def _argmin_call(x_flat, codebook, cnorm):
    n = x_flat.shape[0]
    assert n % _TM == 0
    return pl.pallas_call(
        functools.partial(_dist_argmin_body, n),
        grid=(n // _TM,),
        in_specs=[
            pl.BlockSpec((_TM, _CD), lambda i: (i, 0)),
            pl.BlockSpec((_NB, _CD), lambda i: (0, 0)),
            pl.BlockSpec((1, _NB), lambda i: (0, 0)),
        ],
        out_specs=[
            pl.BlockSpec((_TM,), lambda i: (i,)),
            pl.BlockSpec(memory_space=pltpu.SMEM),
        ],
        out_shape=[
            jax.ShapeDtypeStruct((n,), jnp.int32),
            jax.ShapeDtypeStruct((1,), jnp.float32),
        ],
        scratch_shapes=[pltpu.SMEM((1,), jnp.float32)],
    )(x_flat, codebook, cnorm)



_NC = 2
_NS = 16
_NW = _NC * _NS
_CHUNK = 88


def _sc_gather_body(bpw, cb_hbm, idx_hbm, out_hbm, idx_v, rows_v, sem):
    wid = lax.axis_index("s") * _NC + lax.axis_index("c")
    base = wid * bpw
    pltpu.sync_copy(idx_hbm.at[pl.ds(base, bpw)], idx_v)
    copies = []
    for j in range(bpw // _CHUNK):
        copies.append(pltpu.async_copy(
            cb_hbm.at[idx_v.at[pl.ds(j * _CHUNK, _CHUNK)]],
            rows_v.at[pl.ds(j * _CHUNK, _CHUNK)],
            sem))
    for c in copies:
        c.wait()
    pltpu.sync_copy(rows_v, out_hbm.at[pl.ds(base, bpw)])


def _gather_call(codebook, idx):
    n = idx.shape[0]
    assert n % (_NW * _CHUNK) == 0
    bpw = n // _NW
    mesh = plsc.VectorSubcoreMesh(core_axis_name="c", subcore_axis_name="s")
    f = functools.partial(
        pl.kernel,
        mesh=mesh,
        out_type=jax.ShapeDtypeStruct((n, _CD), jnp.float32),
        scratch_types=[
            pltpu.VMEM((bpw,), jnp.int32),
            pltpu.VMEM((bpw, _CD), jnp.float32),
            pltpu.SemaphoreType.DMA,
        ],
    )(functools.partial(_sc_gather_body, bpw))
    return f(codebook, idx)


def kernel(x, codebook):
    B, C, J, T = x.shape
    x_flat = jnp.transpose(x, (0, 2, 3, 1)).reshape(-1, C)
    cnorm = jnp.sum(codebook ** 2, axis=-1)[None, :]
    idx, loss = _argmin_call(x_flat, codebook, cnorm)
    q_flat = _gather_call(codebook, idx)
    x_quantized = jnp.transpose(q_flat.reshape(B, J, T, C), (0, 3, 1, 2))
    return x_quantized, loss[0]

# --- scband reference (transcript-rebuilt; emitter-appended) ---
"""Pipeline reference for scband-quantize-emareset2-d-79963701117562 (READ-ONLY COPY).

The authoritative reference and input builder live on the scoring server;
editing this copy changes nothing except your own understanding.
"""

import jax, jax.numpy as jnp
import numpy as np

NB_CODE = 8192
CODE_DIM = 256


def setup_inputs(seed: int = 0) -> dict:
    key = jax.random.key(seed)
    k_x, k_cb = jax.random.split(key)
    x = jax.random.normal(k_x, (8, 256, 22, 64), dtype=jnp.float32)
    codebook = jax.random.normal(k_cb, (NB_CODE, CODE_DIM), dtype=jnp.float32)
    return {"x": x, "codebook": codebook}


def reference(x, codebook):
    # x: (B, C, J, T); codebook: (K, C)
    B, C, J, T = x.shape
    # preprocess: 'b c j t -> (b j t) c'
    x_flat = jnp.transpose(x, (0, 2, 3, 1)).reshape(-1, C)
    # squared-euclidean distances to codebook entries
    distances = (
        jnp.sum(x_flat ** 2, axis=-1, keepdims=True)
        - 2.0 * jnp.matmul(x_flat, codebook.T)
        + jnp.sum(codebook ** 2, axis=-1)[None, :]
    )
    code_idx = jnp.argmin(distances, axis=-1)
    # embedding lookup
    x_quantized_flat = jnp.take(codebook, code_idx, axis=0)
    # commit loss: mse(x_flat, stop_grad(x_quantized))
    commit_loss = jnp.mean((x_flat - jax.lax.stop_gradient(x_quantized_flat)) ** 2)
    # postprocess: '(b j t) c -> b c j t'
    x_quantized = jnp.transpose(x_quantized_flat.reshape(B, J, T, C), (0, 3, 1, 2))
    return x_quantized, commit_loss

if __name__ == "__main__":
    import jax
    _d = setup_inputs()
    print(jax.jit(kernel)(*tuple(_d.values())))

</pallas_src>

<mosaic_0001>
#map = affine_map<(d0, d1) -> (0, 0)>
#map1 = affine_map<(d0, d1) -> (0)>
module attributes {stable_mosaic.version = 14 : i64} {
  func.func @_sc_gather_body(%arg0: i32, %arg1: i32, %arg2: memref<8192x256xf32, #tpu.memory_space<hbm>>, %arg3: memref<11264xi32, #tpu.memory_space<hbm>>, %arg4: memref<11264x256xf32, #tpu.memory_space<hbm>>, %arg5: memref<352xi32, #tpu.memory_space<vmem>>, %arg6: memref<352x256xf32, #tpu.memory_space<vmem>>, %arg7: memref<!tpu.dma_semaphore, #tpu.memory_space<semaphore_mem>>) attributes {dimension_semantics = [#tpu.dimension_semantics<core_parallel>, #tpu.dimension_semantics<subcore_parallel>], iteration_bounds = array<i64: 2, 16>, scalar_prefetch = 0 : i64, scratch_operands = 3 : i64, tpu.core_type = #tpu.core_type<sc_vector_subcore>, window_params = [{transform_indices = #map}, {transform_indices = #map1}, {transform_indices = #map}]} {
    %mul3A = arith.constant 2 : i32
    %mul3A_0 = arith.muli %arg1, %mul3A : i32
    %add3A = arith.addi %mul3A_0, %arg0 : i32
    %mul3A_1 = arith.constant 352 : i32
    %mul3A_2 = arith.muli %add3A, %mul3A_1 : i32
    "tpu.region"() ({
      %run_scoped3A = tpu.sem_alloc : memref<!tpu.dma_semaphore, #tpu.memory_space<semaphore_mem>>
      %dma_start3A_65 = tpu.memref_slice %arg3[%mul3A_2] : memref<11264xi32, #tpu.memory_space<hbm>> -> memref<352xi32, #tpu.memory_space<hbm>>
      %dma_start3A_66 = tpu.memref_slice %arg3[%mul3A_2] : memref<11264xi32, #tpu.memory_space<hbm>> -> memref<352xi32, #tpu.memory_space<hbm>>
      tpu.enqueue_dma source(%dma_start3A_66 : memref<352xi32, #tpu.memory_space<hbm>>) target(%arg5 : memref<352xi32, #tpu.memory_space<vmem>>) target_semaphore(%run_scoped3A : memref<!tpu.dma_semaphore, #tpu.memory_space<semaphore_mem>>)
      %dma_wait3A_67 = tpu.memref_slice %arg3[%mul3A_2] : memref<11264xi32, #tpu.memory_space<hbm>> -> memref<352xi32, #tpu.memory_space<hbm>>
      %dma_wait3A_68 = tpu.memref_slice %arg3[%mul3A_2] : memref<11264xi32, #tpu.memory_space<hbm>> -> memref<352xi32, #tpu.memory_space<hbm>>
      tpu.wait_dma2 semaphore(%run_scoped3A : memref<!tpu.dma_semaphore, #tpu.memory_space<semaphore_mem>>) src(%dma_wait3A_68 : memref<352xi32, #tpu.memory_space<hbm>>) dst(%arg5 : memref<352xi32, #tpu.memory_space<vmem>>)
      tpu.yield
    }) : () -> ()
    %dma_start3A = arith.constant 0 : i32
    %dma_start3A_3 = arith.constant 0 : i32
    %dma_start3A_4 = tpu.memref_slice %arg6[%dma_start3A, %dma_start3A_3] : memref<352x256xf32, #tpu.memory_space<vmem>> -> memref<88x256xf32, #tpu.memory_space<vmem>>
    %dma_start3A_5 = arith.constant 0 : i32
    %dma_start3A_6 = tpu.memref_slice %arg5[%dma_start3A_5] : memref<352xi32, #tpu.memory_space<vmem>> -> memref<88xi32, #tpu.memory_space<vmem>>
    %dma_start3A_7 = arith.constant 0 : i32
    %dma_start3A_8 = arith.constant 0 : i32
    %dma_start3A_9 = tpu.memref_slice %arg2[%dma_start3A_7, %dma_start3A_8] : memref<8192x256xf32, #tpu.memory_space<hbm>> -> memref<8192x256xf32, #tpu.memory_space<hbm>>
    tpu.enqueue_indirect_dma source(%dma_start3A_9 : memref<8192x256xf32, #tpu.memory_space<hbm>>) target(%dma_start3A_4 : memref<88x256xf32, #tpu.memory_space<vmem>>) offsets(%dma_start3A_6 : memref<88xi32, #tpu.memory_space<vmem>>) semaphore(%arg7 : memref<!tpu.dma_semaphore, #tpu.memory_space<semaphore_mem>>)
    %dma_start3A_10 = arith.constant 88 : i32
    %dma_start3A_11 = arith.constant 0 : i32
    %dma_start3A_12 = tpu.memref_slice %arg6[%dma_start3A_10, %dma_start3A_11] : memref<352x256xf32, #tpu.memory_space<vmem>> -> memref<88x256xf32, #tpu.memory_space<vmem>>
    %dma_start3A_13 = arith.constant 88 : i32
    %dma_start3A_14 = tpu.memref_slice %arg5[%dma_start3A_13] : memref<352xi32, #tpu.memory_space<vmem>> -> memref<88xi32, #tpu.memory_space<vmem>>
    %dma_start3A_15 = arith.constant 0 : i32
    %dma_start3A_16 = arith.constant 0 : i32
    %dma_start3A_17 = tpu.memref_slice %arg2[%dma_start3A_15, %dma_start3A_16] : memref<8192x256xf32, #tpu.memory_space<hbm>> -> memref<8192x256xf32, #tpu.memory_space<hbm>>
    tpu.enqueue_indirect_dma source(%dma_start3A_17 : memref<8192x256xf32, #tpu.memory_space<hbm>>) target(%dma_start3A_12 : memref<88x256xf32, #tpu.memory_space<vmem>>) offsets(%dma_start3A_14 : memref<88xi32, #tpu.memory_space<vmem>>) semaphore(%arg7 : memref<!tpu.dma_semaphore, #tpu.memory_space<semaphore_mem>>)
    %dma_start3A_18 = arith.constant 176 : i32
    %dma_start3A_19 = arith.constant 0 : i32
    %dma_start3A_20 = tpu.memref_slice %arg6[%dma_start3A_18, %dma_start3A_19] : memref<352x256xf32, #tpu.memory_space<vmem>> -> memref<88x256xf32, #tpu.memory_space<vmem>>
    %dma_start3A_21 = arith.constant 176 : i32
    %dma_start3A_22 = tpu.memref_slice %arg5[%dma_start3A_21] : memref<352xi32, #tpu.memory_space<vmem>> -> memref<88xi32, #tpu.memory_space<vmem>>
    %dma_start3A_23 = arith.constant 0 : i32
    %dma_start3A_24 = arith.constant 0 : i32
    %dma_start3A_25 = tpu.memref_slice %arg2[%dma_start3A_23, %dma_start3A_24] : memref<8192x256xf32, #tpu.memory_space<hbm>> -> memref<8192x256xf32, #tpu.memory_space<hbm>>
    tpu.enqueue_indirect_dma source(%dma_start3A_25 : memref<8192x256xf32, #tpu.memory_space<hbm>>) target(%dma_start3A_20 : memref<88x256xf32, #tpu.memory_space<vmem>>) offsets(%dma_start3A_22 : memref<88xi32, #tpu.memory_space<vmem>>) semaphore(%arg7 : memref<!tpu.dma_semaphore, #tpu.memory_space<semaphore_mem>>)
    %dma_start3A_26 = arith.constant 264 : i32
    %dma_start3A_27 = arith.constant 0 : i32
    %dma_start3A_28 = tpu.memref_slice %arg6[%dma_start3A_26, %dma_start3A_27] : memref<352x256xf32, #tpu.memory_space<vmem>> -> memref<88x256xf32, #tpu.memory_space<vmem>>
    %dma_start3A_29 = arith.constant 264 : i32
    %dma_start3A_30 = tpu.memref_slice %arg5[%dma_start3A_29] : memref<352xi32, #tpu.memory_space<vmem>> -> memref<88xi32, #tpu.memory_space<vmem>>
    %dma_start3A_31 = arith.constant 0 : i32
    %dma_start3A_32 = arith.constant 0 : i32
    %dma_start3A_33 = tpu.memref_slice %arg2[%dma_start3A_31, %dma_start3A_32] : memref<8192x256xf32, #tpu.memory_space<hbm>> -> memref<8192x256xf32, #tpu.memory_space<hbm>>
    tpu.enqueue_indirect_dma source(%dma_start3A_33 : memref<8192x256xf32, #tpu.memory_space<hbm>>) target(%dma_start3A_28 : memref<88x256xf32, #tpu.memory_space<vmem>>) offsets(%dma_start3A_30 : memref<88xi32, #tpu.memory_space<vmem>>) semaphore(%arg7 : memref<!tpu.dma_semaphore, #tpu.memory_space<semaphore_mem>>)
    %dma_wait3A = arith.constant 0 : i32
    %dma_wait3A_34 = arith.constant 0 : i32
    %dma_wait3A_35 = tpu.memref_slice %arg6[%dma_wait3A, %dma_wait3A_34] : memref<352x256xf32, #tpu.memory_space<vmem>> -> memref<88x256xf32, #tpu.memory_space<vmem>>
    %dma_wait3A_36 = arith.constant 0 : i32
    %dma_wait3A_37 = tpu.memref_slice %arg5[%dma_wait3A_36] : memref<352xi32, #tpu.memory_space<vmem>> -> memref<88xi32, #tpu.memory_space<vmem>>
    %dma_wait3A_38 = arith.constant 0 : i32
    %dma_wait3A_39 = arith.constant 0 : i32
    %dma_wait3A_40 = tpu.memref_slice %arg2[%dma_wait3A_38, %dma_wait3A_39] : memref<8192x256xf32, #tpu.memory_space<hbm>> -> memref<8192x256xf32, #tpu.memory_space<hbm>>
    tpu.wait_indirect_dma semaphore(%arg7 : memref<!tpu.dma_semaphore, #tpu.memory_space<semaphore_mem>>) src(%dma_wait3A_40 : memref<8192x256xf32, #tpu.memory_space<hbm>>) dst(%dma_wait3A_35 : memref<88x256xf32, #tpu.memory_space<vmem>>)
    %dma_wait3A_41 = arith.constant 88 : i32
    %dma_wait3A_42 = arith.constant 0 : i32
    %dma_wait3A_43 = tpu.memref_slice %arg6[%dma_wait3A_41, %dma_wait3A_42] : memref<352x256xf32, #tpu.memory_space<vmem>> -> memref<88x256xf32, #tpu.memory_space<vmem>>
    %dma_wait3A_44 = arith.constant 88 : i32
    %dma_wait3A_45 = tpu.memref_slice %arg5[%dma_wait3A_44] : memref<352xi32, #tpu.memory_space<vmem>> -> memref<88xi32, #tpu.memory_space<vmem>>
    %dma_wait3A_46 = arith.constant 0 : i32
    %dma_wait3A_47 = arith.constant 0 : i32
    %dma_wait3A_48 = tpu.memref_slice %arg2[%dma_wait3A_46, %dma_wait3A_47] : memref<8192x256xf32, #tpu.memory_space<hbm>> -> memref<8192x256xf32, #tpu.memory_space<hbm>>
    tpu.wait_indirect_dma semaphore(%arg7 : memref<!tpu.dma_semaphore, #tpu.memory_space<semaphore_mem>>) src(%dma_wait3A_48 : memref<8192x256xf32, #tpu.memory_space<hbm>>) dst(%dma_wait3A_43 : memref<88x256xf32, #tpu.memory_space<vmem>>)
    %dma_wait3A_49 = arith.constant 176 : i32
    %dma_wait3A_50 = arith.constant 0 : i32
    %dma_wait3A_51 = tpu.memref_slice %arg6[%dma_wait3A_49, %dma_wait3A_50] : memref<352x256xf32, #tpu.memory_space<vmem>> -> memref<88x256xf32, #tpu.memory_space<vmem>>
    %dma_wait3A_52 = arith.constant 176 : i32
    %dma_wait3A_53 = tpu.memref_slice %arg5[%dma_wait3A_52] : memref<352xi32, #tpu.memory_space<vmem>> -> memref<88xi32, #tpu.memory_space<vmem>>
    %dma_wait3A_54 = arith.constant 0 : i32
    %dma_wait3A_55 = arith.constant 0 : i32
    %dma_wait3A_56 = tpu.memref_slice %arg2[%dma_wait3A_54, %dma_wait3A_55] : memref<8192x256xf32, #tpu.memory_space<hbm>> -> memref<8192x256xf32, #tpu.memory_space<hbm>>
    tpu.wait_indirect_dma semaphore(%arg7 : memref<!tpu.dma_semaphore, #tpu.memory_space<semaphore_mem>>) src(%dma_wait3A_56 : memref<8192x256xf32, #tpu.memory_space<hbm>>) dst(%dma_wait3A_51 : memref<88x256xf32, #tpu.memory_space<vmem>>)
    %dma_wait3A_57 = arith.constant 264 : i32
    %dma_wait3A_58 = arith.constant 0 : i32
    %dma_wait3A_59 = tpu.memref_slice %arg6[%dma_wait3A_57, %dma_wait3A_58] : memref<352x256xf32, #tpu.memory_space<vmem>> -> memref<88x256xf32, #tpu.memory_space<vmem>>
    %dma_wait3A_60 = arith.constant 264 : i32
    %dma_wait3A_61 = tpu.memref_slice %arg5[%dma_wait3A_60] : memref<352xi32, #tpu.memory_space<vmem>> -> memref<88xi32, #tpu.memory_space<vmem>>
    %dma_wait3A_62 = arith.constant 0 : i32
    %dma_wait3A_63 = arith.constant 0 : i32
    %dma_wait3A_64 = tpu.memref_slice %arg2[%dma_wait3A_62, %dma_wait3A_63] : memref<8192x256xf32, #tpu.memory_space<hbm>> -> memref<8192x256xf32, #tpu.memory_space<hbm>>
    tpu.wait_indirect_dma semaphore(%arg7 : memref<!tpu.dma_semaphore, #tpu.memory_space<semaphore_mem>>) src(%dma_wait3A_64 : memref<8192x256xf32, #tpu.memory_space<hbm>>) dst(%dma_wait3A_59 : memref<88x256xf32, #tpu.memory_space<vmem>>)
    "tpu.region"() ({
      %run_scoped3A = tpu.sem_alloc : memref<!tpu.dma_semaphore, #tpu.memory_space<semaphore_mem>>
      %dma_start3A_65 = arith.constant 0 : i32
      %dma_start3A_66 = tpu.memref_slice %arg4[%mul3A_2, %dma_start3A_65] : memref<11264x256xf32, #tpu.memory_space<hbm>> -> memref<352x256xf32, #tpu.memory_space<hbm>>
      %dma_start3A_67 = arith.constant 0 : i32
      %dma_start3A_68 = tpu.memref_slice %arg4[%mul3A_2, %dma_start3A_67] : memref<11264x256xf32, #tpu.memory_space<hbm>> -> memref<352x256xf32, #tpu.memory_space<hbm>>
      tpu.enqueue_dma source(%arg6 : memref<352x256xf32, #tpu.memory_space<vmem>>) target(%dma_start3A_68 : memref<352x256xf32, #tpu.memory_space<hbm>>) target_semaphore(%run_scoped3A : memref<!tpu.dma_semaphore, #tpu.memory_space<semaphore_mem>>)
      %dma_wait3A_69 = arith.constant 0 : i32
      %dma_wait3A_70 = tpu.memref_slice %arg4[%mul3A_2, %dma_wait3A_69] : memref<11264x256xf32, #tpu.memory_space<hbm>> -> memref<352x256xf32, #tpu.memory_space<hbm>>
      %dma_wait3A_71 = arith.constant 0 : i32
      %dma_wait3A_72 = tpu.memref_slice %arg4[%mul3A_2, %dma_wait3A_71] : memref<11264x256xf32, #tpu.memory_space<hbm>> -> memref<352x256xf32, #tpu.memory_space<hbm>>
      tpu.wait_dma2 semaphore(%run_scoped3A : memref<!tpu.dma_semaphore, #tpu.memory_space<semaphore_mem>>) src(%arg6 : memref<352x256xf32, #tpu.memory_space<vmem>>) dst(%dma_wait3A_72 : memref<352x256xf32, #tpu.memory_space<hbm>>)
      tpu.yield
    }) : () -> ()
    return
  }
}

module attributes {stable_mosaic.version = 14 : i64} {
  func.func @_dist_argmin_body(%arg0: i32, %arg1: memref<256x256xf32, #tpu.memory_space<vmem>>, %arg2: memref<8192x256xf32, #tpu.memory_space<vmem>>, %arg3: memref<1x8192xf32, #tpu.memory_space<vmem>>, %arg4: memref<256xi32, #tpu.memory_space<vmem>>, %arg5: memref<1xf32, #tpu.memory_space<smem>>, %arg6: memref<1xf32, #tpu.memory_space<smem>>) attributes {dimension_semantics = [#tpu.dimension_semantics<arbitrary>], iteration_bounds = array<i64: 44>, scalar_prefetch = 0 : i64, scratch_operands = 1 : i64, tpu.core_type = #tpu.core_type<tc>, window_params = [{transform_indices = @transform_0, window_bounds = array<i64: 256, 256>}, {pipeline_mode = #tpu.pipeline_mode<synchronous>, transform_indices = @transform_1, window_bounds = array<i64: 8192, 256>}, {pipeline_mode = #tpu.pipeline_mode<synchronous>, transform_indices = @transform_2, window_bounds = array<i64: 1, 8192>}, {transform_indices = @transform_3, window_bounds = array<i64: 256>}, {transform_indices = @transform_4, window_bounds = array<i64: 1>}]} {
    %get3A = arith.constant 0 : index
    %get3A_0 = arith.constant 0 : index
    %get3A_1 = vector.load %arg1[%get3A, %get3A_0] : memref<256x256xf32, #tpu.memory_space<vmem>>, vector<256x256xf32>
    %get3A_2 = arith.constant 0 : index
    %get3A_3 = arith.constant 0 : index
    %get3A_4 = vector.load %arg2[%get3A_2, %get3A_3] : memref<8192x256xf32, #tpu.memory_space<vmem>>, vector<8192x256xf32>
    %dot_general3A = arith.constant dense<0.000000e+00> : vector<256x8192xf32>
    %dot_general3A_5 = tpu.matmul %get3A_1, %get3A_4, %dot_general3A {dimension_numbers = #tpu.dot_dimension_numbers<[1], [1], [0], [0], [0, 0, 1, 0], [], []>, transpose_lhs_hint = false} : vector<256x256xf32>, vector<8192x256xf32>, vector<256x8192xf32> -> vector<256x8192xf32>
    %mul3A = arith.mulf %get3A_1, %get3A_1 : vector<256x256xf32>
    %reduce_sum3A = arith.constant dense<0.000000e+00> : vector<256xf32>
    %reduce_sum3A_6 = vector.multi_reduction <add>, %mul3A, %reduce_sum3A [1] : vector<256x256xf32> to vector<256xf32>
    %broadcast_in_dim3A = vector.shape_cast %reduce_sum3A_6 : vector<256xf32> to vector<256x1xf32>
    %mul3A_7 = arith.constant 2.000000e+00 : f32
    %mul3A_8 = vector.broadcast %mul3A_7 : f32 to vector<256x8192xf32>
    %mul3A_9 = arith.mulf %mul3A_8, %dot_general3A_5 : vector<256x8192xf32>
    %sub3A = vector.broadcast %broadcast_in_dim3A : vector<256x1xf32> to vector<256x8192xf32>
    %sub3A_10 = arith.subf %sub3A, %mul3A_9 : vector<256x8192xf32>
    %get3A_11 = arith.constant 0 : index
    %get3A_12 = arith.constant 0 : index
    %get3A_13 = vector.load %arg3[%get3A_11, %get3A_12] : memref<1x8192xf32, #tpu.memory_space<vmem>>, vector<1x8192xf32>
    %add3A = vector.broadcast %get3A_13 : vector<1x8192xf32> to vector<256x8192xf32>
    %add3A_14 = arith.addf %sub3A_10, %add3A : vector<256x8192xf32>
    %reduce_min3A = arith.constant dense<0x7F800000> : vector<256xf32>
    %reduce_min3A_15 = vector.multi_reduction <minimumf>, %add3A_14, %reduce_min3A [1] : vector<256x8192xf32> to vector<256xf32>
    %broadcast_in_dim3A_16 = vector.shape_cast %reduce_min3A_15 : vector<256xf32> to vector<256x1xf32>
    %iota3A = tpu.iota {dimensions = array<i32: 1>} : vector<256x8192xi32>
    %eq3A = vector.broadcast %broadcast_in_dim3A_16 : vector<256x1xf32> to vector<256x8192xf32>
    %eq3A_17 = arith.cmpf oeq, %add3A_14, %eq3A : vector<256x8192xf32>
    %jit3A = arith.constant 8192 : i32
    %broadcast_in_dim3A_18 = vector.broadcast %jit3A : i32 to vector<256x8192xi32>
    %select_n3A = arith.select %eq3A_17, %iota3A, %broadcast_in_dim3A_18 : vector<256x8192xi1>, vector<256x8192xi32>
    %reduce_min3A_19 = arith.constant dense<2147483647> : vector<256xi32>
    %reduce_min3A_20 = vector.multi_reduction <minsi>, %select_n3A, %reduce_min3A_19 [1] : vector<256x8192xi32> to vector<256xi32>
    %swap3A = arith.constant 0 : index
    %swap3A_21 = vector.load %arg4[%swap3A] : memref<256xi32, #tpu.memory_space<vmem>>, vector<256xi32>
    tpu.vector_store %arg4[%swap3A], %reduce_min3A_20 {strides = array<i32>} : memref<256xi32, #tpu.memory_space<vmem>>, vector<256xi32>,
    %eq3A_22 = arith.constant 0 : i32
    %eq3A_23 = arith.cmpi eq, %arg0, %eq3A_22 : i32
    %convert_element_type3A = arith.extui %eq3A_23 : i1 to i32
    %cond3A = arith.constant 0 : i32
    %cond3A_24 = arith.cmpi ne, %convert_element_type3A, %cond3A : i32
    scf.if %cond3A_24 {
      %swap3A_40 = arith.constant 0.000000e+00 : f32
      %swap3A_41 = arith.constant 0 : index
      %swap3A_42 = memref.load %arg6[%swap3A_41] : memref<1xf32, #tpu.memory_space<smem>>
      memref.store %swap3A_40, %arg6[%swap3A_41] : memref<1xf32, #tpu.memory_space<smem>>
    } else {
    }
    %get3A_25 = arith.constant 0 : index
    %get3A_26 = memref.load %arg6[%get3A_25] : memref<1xf32, #tpu.memory_space<smem>>
    %reduce_sum3A_27 = vector.shape_cast %broadcast_in_dim3A_16 : vector<256x1xf32> to vector<1x256x1xf32>
    %reduce_sum3A_28 = arith.constant dense<0.000000e+00> : vector<1xf32>
    %reduce_sum3A_29 = vector.multi_reduction <add>, %reduce_sum3A_27, %reduce_sum3A_28 [1, 2] : vector<1x256x1xf32> to vector<1xf32>
    %reduce_sum3A_30 = vector.shape_cast %reduce_sum3A_29 : vector<1xf32> to vector<1x1x1xf32>
    %reduce_sum3A_31 = vector.extract %reduce_sum3A_30[0, 0, 0] : f32 from vector<1x1x1xf32>
    %add3A_32 = arith.addf %get3A_26, %reduce_sum3A_31 : f32
    %swap3A_33 = arith.constant 0 : index
    %swap3A_34 = memref.load %arg6[%swap3A_33] : memref<1xf32, #tpu.memory_space<smem>>
    memref.store %add3A_32, %arg6[%swap3A_33] : memref<1xf32, #tpu.memory_space<smem>>
    %eq3A_35 = arith.constant 43 : i32
    %eq3A_36 = arith.cmpi eq, %arg0, %eq3A_35 : i32
    %convert_element_type3A_37 = arith.extui %eq3A_36 : i1 to i32
    %cond3A_38 = arith.constant 0 : i32
    %cond3A_39 = arith.cmpi ne, %convert_element_type3A_37, %cond3A_38 : i32
    scf.if %cond3A_39 {
      %get3A_40 = arith.constant 0 : index
      %get3A_41 = memref.load %arg6[%get3A_40] : memref<1xf32, #tpu.memory_space<smem>>
      %div3A = arith.constant 0x4A300000 : f32
      %div3A_42 = arith.divf %get3A_41, %div3A : f32
      %swap3A_43 = arith.constant 0 : index
      %swap3A_44 = memref.load %arg5[%swap3A_43] : memref<1xf32, #tpu.memory_space<smem>>
      memref.store %div3A_42, %arg5[%swap3A_43] : memref<1xf32, #tpu.memory_space<smem>>
    } else {
    }
    return
  }
  func.func @transform_0(%arg0: i32) -> (i32, i32) {
    %c0_i32 = arith.constant 0 : i32
    %c0_i32_0 = arith.constant 0 : i32
    return %arg0, %c0_i32 : i32, i32
  }
  func.func @transform_1(%arg0: i32) -> (i32, i32) {
    %c0_i32 = arith.constant 0 : i32
    %c0_i32_0 = arith.constant 0 : i32
    %c0_i32_1 = arith.constant 0 : i32
    return %c0_i32, %c0_i32_0 : i32, i32
  }
  func.func @transform_2(%arg0: i32) -> (i32, i32) {
    %c0_i32 = arith.constant 0 : i32
    %c0_i32_0 = arith.constant 0 : i32
    %c0_i32_1 = arith.constant 0 : i32
    return %c0_i32, %c0_i32_0 : i32, i32
  }
  func.func @transform_3(%arg0: i32) -> i32 {
    %c0_i32 = arith.constant 0 : i32
    return %arg0 : i32
  }
  func.func @transform_4(%arg0: i32) -> i32 {
    %c0_i32 = arith.constant 0 : i32
    %c0_i32_0 = arith.constant 0 : i32
    return %c0_i32 : i32
  }
}

</mosaic_0001>

<sc_bundles>
// kernel: kernel.4.cloned.1.call-start
scs
__scs_entry_jumppad:
0x0: {  	(pc) =	sbr.rel $0x88, $3  }
0x1: {  	(tag) =	ssettag $0x0;
	lr =	simm.s32 $0x1  }
0x2: {  	[smem:$0x3F9F] =	sst lr;
	_ =	strace $0xD0000000  }
0x3: {  	_ = 	snop  }
0x4: {  	_ = 	snop  }
0x5: {  	_ = 	snop  }
0x6: {  	_ = 	snop  }
0x7: {  	_ = 	snop  }
__scs_overlays_trampoline_lowered:
0x8: {  	[smem:$0x3FAE] =	sst s0  }
0x9: {  	[smem:$0x3FAF] =	sst s1  }
0xa: {  	[smem:$0x3FB0] =	sst s2  }
0xb: {  	[smem:$0x3FB1] =	sst s3  }
0xc: {  	[smem:$0x3FB2] =	sst s4  }
0xd: {  	[smem:$0x3FB3] =	sst s5  }
0xe: {  	[smem:$0x3FB4] =	sst s6  }
0xf: {  	[smem:$0x3FB5] =	sst s7  }
0x10: {  	[smem:$0x3FB6] =	sst s8  }
0x11: {  	[smem:$0x3FB7] =	sst s9;
	s0 =	simm.s32 @!p0 $0x0  }
0x12: {  	s1 =	sld [smem:$0x3F9D];
	s0 =	simm.s32 @p0 $0x1  }
0x13: {  	[smem:$0x3FB8] =	sst s0;
	s0 =	simm.s32 @!p1 $0x0  }
0x14: {  	s2 =	sld [smem:$0x3F9C];
	s0 =	simm.s32 @p1 $0x1  }
0x15: {  	[smem:$0x3FB9] =	sst s0;
	s0 =	simm.s32 @!p2 $0x0  }
0x16: {  	s3 =	sld [smem:$0x3FDB];
	s0 =	simm.s32 @p2 $0x1  }
0x17: {  	s4 =	simm.s32 $0x1BF5;
	[smem:$0x3FBB] =	sst s0  }
0x18: {  	s0 =	sld [smem:$0x3F9E];
	_ =	swait.ge [sflag:s4], $0x0  }
0x19: {  	s7 =	sld [smem:$0x3F9F]  }
0x1a: {  	s8 =	sadd.s32 $0xFFFFE003, lr  }
0x1b: {  	s9 =	sadd.s32 $0xFFFFFEF7, lr;
	s5 =	simm.s32 $0xFFFFFFFF;
	p2 =	slt.u32 s8, $0xFFFFF086  }
0x1c: {  	p1 =	slt.u32 s9, $0xF7A;
	s5 =	simm.s32 @!p2 $0x0  }
0x1d: {  	s5 =	simm.s32 @p1 $0x1;
	p0 =	seq.s32 s7, s2  }
0x1e: {  	s7 =	smul.u32 @!p0 $0xF7A, s2;
	p2 =	seq.s32 @!p0 s5, $0x0  }
0x1f: {  	s9 =	smul.u32 $0xF7A, s1;
	s8 =	simm.s32 @!p0 $0x1BF5;
	p2 =	por !p2, p0  }
0x20: {  	[sflag:s8] =	ssyncset.s32 @!p0 $0xFFFFF086;
	s6 =	sadd.s32 @!p0 s3, s7;
	s7 =	simm.s32 @!p0 $0x108  }
0x21: {  	s3 =	sadd.s32 s3, s9;
	s6 =	sadd.s32 @!p0 $0x88, s6;
	s7 =	simm.s32 @p2 $0x1082  }
0x22: {  	[simem:s7], [sflag:s8] =	dma.local @!p0 [hbm:s6], $0xF7A  }
0x23: {  	s9 =	sor.u32 $0xD0000000, s2;
	s6 =	simm.s32 $0x108;
	_ =	swait.ge @!p0 [sflag:s8], $0x0  }
0x24: {  	s3 =	sadd.s32 $0x88, s3;
	s6 =	simm.s32 @!p1 $0x1082;
	[sflag:s4] =	ssyncset.s32 $0xFFFFF086  }
0x25: {  	[simem:s6], [sflag:s4] =	dma.local [hbm:s3], $0xF7A  }
0x26: {  	[smem:$0x3F9F] =	sst s1;
	(tag) =	ssettag s2;
	_ =	strace s9  }
0x27: {  	s1 =	sld [smem:$0x3FAF]  }
0x28: {  	s2 =	sld [smem:$0x3FB0]  }
0x29: {  	s4 =	sld [smem:$0x3FB2]  }
0x2a: {  	p0 =	seq.s32 s5, $0x0;
	s5 =	sld [smem:$0x3FB3]  }
0x2b: {  	s6 =	sld [smem:$0x3FB4]  }
0x2c: {  	s7 =	sld [smem:$0x3FB5]  }
0x2d: {  	s3 =	simm.s32 $0x108;
	s8 =	sld [smem:$0x3FB6]  }
0x2e: {  	s3 =	simm.s32 @!p0 $0x1082;
	s9 =	sld [smem:$0x3FB7]  }
0x2f: {  	lr =	sadd.s32 s0, s3;
	s0 =	sld [smem:$0x3FAE]  }
0x30: {  	s3 =	sld [smem:$0x3FB1]  }
0x31: {  	[smem:$0x3FBA] =	sst s10  }
0x32: {  	s10 =	sld [smem:$0x3FB8];
	_ =	sdelay $0x3  }
0x33: {  	p0 =	seq.s32 s10, $0x1;
	s10 =	sld [smem:$0x3FBA];
	_ =	sdelay $0x3  }
0x34: {  	[smem:$0x3FBA] =	sst s10  }
0x35: {  	s10 =	sld [smem:$0x3FB9];
	_ =	sdelay $0x3  }
0x36: {  	p1 =	seq.s32 s10, $0x1;
	s10 =	sld [smem:$0x3FBA];
	_ =	sdelay $0x3  }
0x37: {  	[smem:$0x3FBA] =	sst s10  }
0x38: {  	s10 =	sld [smem:$0x3FBB]  }
0x39: {  	_ = 	snop;
	(pc) =	sbr.ind lr, $3  }
0x3a: {  	_ = 	snop  }
0x3b: {  	_ = 	snop  }
0x3c: {  	p2 =	seq.s32 s10, $0x1;
	s10 =	sld [smem:$0x3FBA]  }
0x3d: {  	_ =	shalt  }
0x3e: {  	_ =	shalt  }
0x3f: {  	_ =	shalt  }
0x40: {  	_ =	shalt  }
0x41: {  	_ =	shalt  }
0x42: {  	_ =	shalt  }
0x43: {  	_ =	shalt  }
0x44: {  	_ =	shalt  }
0x45: {  	_ =	shalt  }
0x46: {  	_ =	shalt  }
0x47: {  	_ =	shalt  }
0x48: {  	_ =	shalt  }
0x49: {  	_ =	shalt  }
0x4a: {  	_ =	shalt  }
0x4b: {  	_ =	shalt  }
0x4c: {  	_ =	shalt  }
0x4d: {  	_ =	shalt  }
0x4e: {  	_ =	shalt  }
0x4f: {  	_ =	shalt  }
0x50: {  	_ =	shalt  }
0x51: {  	_ =	shalt  }
0x52: {  	_ =	shalt  }
0x53: {  	_ =	shalt  }
0x54: {  	_ =	shalt  }
0x55: {  	_ =	shalt  }
0x56: {  	_ =	shalt  }
0x57: {  	_ =	shalt  }
0x58: {  	_ =	shalt  }
0x59: {  	_ =	shalt  }
0x5a: {  	_ =	shalt  }
0x5b: {  	_ =	shalt  }
0x5c: {  	_ =	shalt  }
0x5d: {  	_ =	shalt  }
0x5e: {  	_ =	shalt  }
0x5f: {  	_ =	shalt  }
0x60: {  	_ =	shalt  }
0x61: {  	_ =	shalt  }
0x62: {  	_ =	shalt  }
0x63: {  	_ =	shalt  }
0x64: {  	_ =	shalt  }
0x65: {  	_ =	shalt  }
0x66: {  	_ =	shalt  }
0x67: {  	_ =	shalt  }
0x68: {  	_ =	shalt  }
0x69: {  	_ =	shalt  }
0x6a: {  	_ =	shalt  }
0x6b: {  	_ =	shalt  }
0x6c: {  	_ =	shalt  }
0x6d: {  	_ =	shalt  }
0x6e: {  	_ =	shalt  }
0x6f: {  	_ =	shalt  }
0x70: {  	_ =	shalt  }
0x71: {  	_ =	shalt  }
0x72: {  	_ =	shalt  }
0x73: {  	_ =	shalt  }
0x74: {  	_ =	shalt  }
0x75: {  	_ =	shalt  }
0x76: {  	_ =	shalt  }
0x77: {  	_ =	shalt  }
0x78: {  	_ =	shalt  }
0x79: {  	_ =	shalt  }
0x7a: {  	_ =	shalt  }
0x7b: {  	_ =	shalt  }
0x7c: {  	_ =	shalt  }
0x7d: {  	_ =	shalt  }
0x7e: {  	_ =	shalt  }
0x7f: {  	_ =	shalt  }
0x80: {  	_ =	shalt  }
0x81: {  	_ =	shalt  }
0x82: {  	_ =	shalt  }
0x83: {  	_ =	shalt  }
0x84: {  	_ =	shalt  }
0x85: {  	_ =	shalt  }
0x86: {  	_ =	shalt  }
0x87: {  	_ =	shalt  }
.Lfunc_end0:
.L_simem_size_0:
called_computation_lowered:
.L_overlay_start_0:
0x88: {  	s2 =	sld [smem:$0x3FD9]  }
0x89: {  	s3 =	sld [smem:$0x3FFE];
	_ =	sdelay $0x1  }
0x8a: {  	s1 =	srdreg.scid  }
0x8b: {  	s0 =	sand.u32 $0x1, s1  }
0x8c: {  	s14 =	sshll.u32 s0, $0xA;
	s2 =	sadd.s32 s3, s2  }
0x8d: {  	s2 =	sadd.s32 s2, s14  }
0x8e: {  	[smem:$0x3FC6] =	sst s2  }
0x8f: {  	_ = 	snop  }
0x90: {  	s2 =	sld [smem:$0x3FD0];
	_ =	sdelay $0x2  }
0x91: {  	s4 =	simm.s32 $0xA;
	s5 =	simm.s32 $0x10;
	s15 =	sld [smem:$0x3FC8]  }
0x92: {  	[smem:s5], [sflag:s4] =	dma.local [hbm:s2], $0x1  }
0x93: {  	_ =	swait.eq [sflag:s4], $0x1  }
0x94: {  	[sflag:s4] =	ssyncset.done $0x0  }
0x95: {  	[sflag:s4] =	ssyncadd.s32 $0xFFFFFFFF  }
0x96: {  	s16 =	sld [smem:$0x10];
	(tm) =	ssettm $0x1  }
0x97: {  	s17 =	sld [smem:$0x3FFB];
	_ =	sdelay $0x3  }
0x98: {  	_ =	strace s17  }
0x99: {  	s4 =	sld [smem:$0x3FFC];
	_ =	sdelay $0x3  }
0x9a: {  	_ =	strace s4  }
0x9b: {  	s4 =	sld [smem:$0x3FFD];
	_ =	sdelay $0x3  }
0x9c: {  	_ =	strace s4  }
0x9d: {  	_ =	strace $0x8FFFFFFF  }
0x9e: {  	s18 =	sld [smem:$0x3FDB];
	_ =	sdelay $0x1  }
0x9f: {  	s19 =	simm.s32 $_scs_section_size  }
0xa0: {  	s6 =	simm.s32 $_size__tile_overlayer_lowered;
	s7 =	simm.s32 $_tile_overlayer_lowered  }
0xa1: {  	s22 =	simm.s32 $0x1BFF;
	s21 =	sshll.u32 s7, $0x1;
	s4 =	sadd.s32 s19, s18  }
0xa2: {  	s8 =	simm.s32 $0x0;
	s20 =	sshll.u32 s6, $0x1;
	s6 =	sadd.s32 s21, s4  }
0xa3: {  	[timem:s8], [sflag:s22] =	dma.local [hbm:s6], s20  }
0xa4: {  	_ =	swait.ge [sflag:s22], s20  }
0xa5: {  	s5 =	ssub.s32 $0x0, s20;
	[sflag:s22] =	ssyncset.done $0x0  }
0xa6: {  	[sflag:s22] =	ssyncadd.s32 s5;
	_ =	sdelay $0x1  }
0xa7: {  	s23 =	simm.s32 $0x1B8B  }
0xa8: {  	_ =	swait.ge [sflag:s23], $0x1  }
0xa9: {  	[sflag:s23] =	ssyncset.done $0x0  }
0xaa: {  	s25 =	simm.s32 $0x1B8E;
	s24 =	sld [smem:$0x3FFE];
	[sflag:s23] =	ssyncadd.s32 $0xFFFFFFFF  }
0xab: {  	s26 =	simm.s32 $execute0_lowered;
	[smem:$0x3FD2] =	sst s25  }
0xac: {  	s6 =	sshll.u32 s26, $0x1;
	_ =	strace $0x80000046;
	[dreg:$0x1] =	wrdreg $0xFFFFFFFF  }
0xad: {  	s28 =	simm.s32 $_size_execute0_lowered;
	s4 =	sadd.s32 s4, s6;
	[dreg:$0x0] =	wrdreg $0x0  }
0xae: {  	s6 =	sshll.u32 s28, $0x1;
	[dreg:$0x2] =	wrdreg s4  }
0xaf: {  	[dreg:$0x3] =	wrdreg s6  }
0xb0: {  	[dreg:$0x4] =	wrdreg $0xC0  }
0xb1: {  	_ =	task [dreg:s8], $0x5FFFF  }
0xb2: {  	[dreg:$0x1] =	wrdreg $0xFFFFFFFF  }
0xb3: {  	[dreg:$0x0] =	wrdreg $0x60  }
0xb4: {  	[dreg:$0x2] =	wrdreg s15  }
0xb5: {  	[dreg:$0x3] =	wrdreg s24  }
0xb6: {  	[dreg:$0x4] =	wrdreg s16  }
0xb7: {  	[dreg:$0x5] =	wrdreg $0x9  }
0xb8: {  	_ =	task.clear_ibuf [dreg:s8], $0x6FFFF;
	_ =	strace $0x90000046  }
0xb9: {  	s29 =	simm.s32 $0x9;
	_ =	strace $0x80000048  }
0xba: {  	_ =	swait.ge [sflag:s29], $0x1  }
0xbb: {  	[sflag:s29] =	ssyncadd.s32 $0xFFFFFFFF  }
0xbc: {  	_ =	strace $0x90000048  }
0xbd: {  	_ =	sfence  }
0xbe: {  	s30 =	sld [smem:$0x0];
	_ =	sdelay $0x2  }
0xbf: {  	s31 =	sshll.u32 s1, $0xD;
	s1 =	sshrl.u32 s1, $0x2  }
0xc0: {  	s3 =	sand.u32 $0x4000, s31;
	s1 =	sadd.s32 s1, s30  }
0xc1: {  	s0 =	sor.u32 s3, s0;
	s1 =	sshll.u32 s1, $0x11  }
0xc2: {  	s0 =	sor.u32 s1, s0  }
0xc3: {  	s0 =	sadd.s32 $0x8F2B, s0  }
0xc4: {  	[sflag:s0] =	ssyncadd.remote.s32 $0x1  }
0xc5: {  	_ =	sfence.sel $0xFFFF  }
0xc6: {  	[dreg:$0x0] =	wrdreg $0xFFFFFFFF;
	(pc) =	sbr.abs _section_cstart, $3  }
0xc7: {  	[dreg:$0x1] =	wrdreg $0xFFFFFFFF  }
0xc8: {  	_ =	task.clear_ibuf [dreg:s8], $0x2FFFF;
	_ =	strace $0x9FFFFFFF  }
0xc9: {  	(tm) =	ssettm $0x7FFFFFFF  }
tec
execute0_lowered:
.L_overlay_start_1:
0x0: {  	(tag) =	ssettag $0x1  }
0x1: {  	s2 =	srdreg.scid  }
0x2: {  	s0 =	stileid.u32;
	s1 =	rddreg [dreg:$0x0]  }
0x3: {  	s4 =	rddreg [dreg:$0x1];
	s2 =	sand.u32 $0x1, s2;
	s3 =	sshll.u32 s0, $0x1  }
0x4: {  	s6 =	rddreg [dreg:$0x2];
	s5 =	sor.u32 s2, s3;
	s3 =	simm.s32 $0x0  }
0x5: {  	s8 =	simm.s32 $0x1180;
	[smem:$0x7FF] =	sst s3  }
0x6: {  	s9 =	simm.s32 $0x1980;
	_ =	strace $0x80000047;
	[dreg:$0x7] =	wrdreg s8  }
0x7: {  	s10 =	simm.s32 $0x2180;
	[dreg:$0x8] =	wrdreg s9  }
0x8: {  	s11 =	simm.s32 $0x2980;
	[dreg:$0x9] =	wrdreg s10  }
0x9: {  	s12 =	simm.s32 $0x3180;
	[dreg:$0xa] =	wrdreg s11  }
0xa: {  	s13 =	simm.s32 $0x3980;
	[dreg:$0xb] =	wrdreg s12  }
0xb: {  	s14 =	simm.s32 $0x4180;
	[dreg:$0xc] =	wrdreg s13  }
0xc: {  	s15 =	simm.s32 $0x4980;
	[dreg:$0xd] =	wrdreg s14  }
0xd: {  	s16 =	simm.s32 $0x5180;
	[dreg:$0xe] =	wrdreg s15  }
0xe: {  	s17 =	simm.s32 $0x5980;
	[dreg:$0xf] =	wrdreg s16  }
0xf: {  	s18 =	simm.s32 $0x6180;
	[dreg:$0x10] =	wrdreg s17  }
0x10: {  	s19 =	simm.s32 $0x6980;
	s20 =	simm.s32 $0x7180;
	[dreg:$0x11] =	wrdreg s18  }
0x11: {  	s21 =	simm.s32 $0x7980;
	s23 =	simm.s32 $0x8180;
	[dreg:$0x12] =	wrdreg s19  }
0x12: {  	s24 =	simm.s32 $0x8980;
	s25 =	simm.s32 $0x9180;
	[dreg:$0x13] =	wrdreg s20  }
0x13: {  	s26 =	simm.s32 $0x9980;
	s28 =	simm.s32 $0x14180;
	[dreg:$0x14] =	wrdreg s21  }
0x14: {  	s29 =	simm.s32 $0x14980;
	s30 =	simm.s32 $0x15180;
	[dreg:$0x15] =	wrdreg s23  }
0x15: {  	s31 =	simm.s32 $0x15980;
	s2 =	ssub.s32 $0x2, s2;
	[dreg:$0x16] =	wrdreg s24  }
0x16: {  	s7 =	smul.u32 $0x2C, s5;
	s22 =	sshrl.u32 s2, $0x1;
	[dreg:$0x17] =	wrdreg s25  }
0x17: {  	s5 =	smul.u32 $0x2C00, s5;
	s2 =	ssub.s32 s2, s22;
	[dreg:$0x18] =	wrdreg s26  }
0x18: {  	s8 =	simm.s32 $0xA980;
	s9 =	simm.s32 $0xB180;
	s10 =	simm.s32 $0xB980  }
0x19: {  	s11 =	simm.s32 $0xC180;
	s12 =	simm.s32 $0xC980;
	s13 =	simm.s32 $0xD180  }
0x1a: {  	s14 =	simm.s32 $0xD980;
	s15 =	simm.s32 $0xE180;
	s16 =	simm.s32 $0xE980  }
0x1b: {  	s17 =	simm.s32 $0xF180;
	s18 =	simm.s32 $0xF980;
	s19 =	simm.s32 $0x10180  }
0x1c: {  	s20 =	simm.s32 $0x10980;
	s21 =	simm.s32 $0x11180;
	s22 =	simm.s32 $0x11980  }
0x1d: {  	s23 =	simm.s32 $0x12180;
	s24 =	simm.s32 $0x12980;
	s25 =	simm.s32 $0x13180  }
0x1e: {  	s26 =	simm.s32 $0x13980;
	s4 =	sadd.s32 s7, s4;
	s6 =	sadd.s32 s6, s5  }
0x1f: {  	v2 =	vlaneseq.u32;
	s7 =	simm.s32 $0x980;
	s5 =	simm.s32 $0x2;
	[dreg:$0x5] =	wrdreg s6  }
0x20: {  	vm0 =	vmmov $0xffff;
	v1 =	vshrl.u32 v2, $0x3;
	s4 =	sadd.s32 $0x800, s4;
	[dreg:$0x6] =	wrdreg s7;
	s6 =	simm.s32 $0x180  }
0x21: {  	v0 =	vand.u32 $0x7, v2;
	v2 =	vor.u32 $0x8, v2;
	v1 =	vmul.u32 $0x8, v1;
	[dreg:$0x4] =	wrdreg s4;
	s4 =	smax.u32 s2, $0x1;
	s2 =	simm.s32 $0x1  }
.LBB2_1:
0x22: {  	s0 =	rddreg [dreg:$0x4]  }
0x23: {  	[tilespmem:s3], [sflag:$0x2] =	stream.linear.gather [hbm4b:s0+s3], $0x160, $0x38;
	[tilespmem:$0x16180] =	vst v63  }
0x24: {  	_ =	swait.ge [sflag:s5], $0x160  }
0x25: {  	[sflag:s5] =	ssyncset.done $0x0  }
0x26: {  	[sflag:s5] =	ssyncadd.s32 $0xFFFFFEA0  }
0x27: {  	v3 =	vld [tilespmem:$0x0];
	_ =	sdelay $0x4  }
0x28: {  	v4 =	vshll.u32 v3, $0x1  }
0x29: {  	v3 =	vand.u32 $0x7, v3;
	v4 =	vand.u32 $0xFFFFFFF0, v4  }
0x2a: {  	v3 =	vor.u32 v3, v4  }
0x2b: {  	v4 =	vperm.xlane v3, v0;
	_ =	sdelay $0x1  }
0x2c: {  	v3 =	vperm.xlane v3, v2;
	v4 =	vadd.s32 v1, v4;
	_ =	sdelay $0x1  }
0x2d: {  	v3 =	vadd.s32 v1, v3;
	_ =	sdelay $0x2  }
0x2e: {  	[tilespmem:s6], [sflag:$0x1] =	stream.indirect_vreg.gather [hbm4b:s1+s3], $0x80, v4, vm0, $0xb8;
	[tilespmem:$0x16180] =	vst v63  }
0x2f: {  	s7 =	rddreg [dreg:$0x6]  }
0x30: {  	[tilespmem:s7], [sflag:$0x1] =	stream.indirect_vreg.gather [hbm4b:s1+s3], $0x80, v3, vm0, $0xb8;
	[tilespmem:$0x16180] =	vst v63  }
0x31: {  	v3 =	vld [tilespmem:$0x10];
	_ =	sdelay $0x4  }
0x32: {  	v41 =	vshll.u32 v3, $0x1  }
0x33: {  	v3 =	vand.u32 $0x7, v3;
	v4 =	vand.u32 $0xFFFFFFF0, v41  }
0x34: {  	v3 =	vor.u32 v3, v4  }
0x35: {  	v4 =	vperm.xlane v3, v0;
	_ =	sdelay $0x1  }
0x36: {  	v3 =	vperm.xlane v3, v2;
	v4 =	vadd.s32 v1, v4;
	_ =	sdelay $0x1  }
0x37: {  	v3 =	vadd.s32 v1, v3;
	_ =	sdelay $0x1  }
0x38: {  	s0 =	rddreg [dreg:$0x7]  }
0x39: {  	[tilespmem:s0], [sflag:$0x1] =	stream.indirect_vreg.gather [hbm4b:s1+s3], $0x80, v4, vm0, $0xb8;
	[tilespmem:$0x16180] =	vst v63  }
0x3a: {  	s7 =	rddreg [dreg:$0x8]  }
0x3b: {  	[tilespmem:s7], [sflag:$0x1] =	stream.indirect_vreg.gather [hbm4b:s1+s3], $0x80, v3, vm0, $0xb8;
	[tilespmem:$0x16180] =	vst v63  }
0x3c: {  	v3 =	vld [tilespmem:$0x20];
	_ =	sdelay $0x4  }
0x3d: {  	v42 =	vshll.u32 v3, $0x1  }
0x3e: {  	v3 =	vand.u32 $0x7, v3;
	v4 =	vand.u32 $0xFFFFFFF0, v42  }
0x3f: {  	v3 =	vor.u32 v3, v4  }
0x40: {  	v4 =	vperm.xlane v3, v0;
	_ =	sdelay $0x1  }
0x41: {  	v3 =	vperm.xlane v3, v2;
	v4 =	vadd.s32 v1, v4;
	_ =	sdelay $0x1  }
0x42: {  	v3 =	vadd.s32 v1, v3;
	_ =	sdelay $0x1  }
0x43: {  	s0 =	rddreg [dreg:$0x9]  }
0x44: {  	[tilespmem:s0], [sflag:$0x1] =	stream.indirect_vreg.gather [hbm4b:s1+s3], $0x80, v4, vm0, $0xb8;
	[tilespmem:$0x16180] =	vst v63  }
0x45: {  	s7 =	rddreg [dreg:$0xa]  }
0x46: {  	[tilespmem:s7], [sflag:$0x1] =	stream.indirect_vreg.gather [hbm4b:s1+s3], $0x80, v3, vm0, $0xb8;
	[tilespmem:$0x16180] =	vst v63  }
0x47: {  	v3 =	vld [tilespmem:$0x30];
	_ =	sdelay $0x4  }
0x48: {  	v43 =	vshll.u32 v3, $0x1  }
0x49: {  	v3 =	vand.u32 $0x7, v3;
	v4 =	vand.u32 $0xFFFFFFF0, v43  }
0x4a: {  	v3 =	vor.u32 v3, v4  }
0x4b: {  	v4 =	vperm.xlane v3, v0;
	_ =	sdelay $0x1  }
0x4c: {  	v3 =	vperm.xlane v3, v2;
	v4 =	vadd.s32 v1, v4;
	_ =	sdelay $0x1  }
0x4d: {  	v3 =	vadd.s32 v1, v3;
	_ =	sdelay $0x1  }
0x4e: {  	s0 =	rddreg [dreg:$0xb]  }
0x4f: {  	[tilespmem:s0], [sflag:$0x1] =	stream.indirect_vreg.gather [hbm4b:s1+s3], $0x80, v4, vm0, $0xb8;
	[tilespmem:$0x16180] =	vst v63  }
0x50: {  	s7 =	rddreg [dreg:$0xc]  }
0x51: {  	[tilespmem:s7], [sflag:$0x1] =	stream.indirect_vreg.gather [hbm4b:s1+s3], $0x80, v3, vm0, $0xb8;
	[tilespmem:$0x16180] =	vst v63  }
0x52: {  	v3 =	vld [tilespmem:$0x40];
	_ =	sdelay $0x4  }
0x53: {  	v44 =	vshll.u32 v3, $0x1  }
0x54: {  	v3 =	vand.u32 $0x7, v3;
	v4 =	vand.u32 $0xFFFFFFF0, v44  }
0x55: {  	v3 =	vor.u32 v3, v4  }
0x56: {  	v4 =	vperm.xlane v3, v0;
	_ =	sdelay $0x1  }
0x57: {  	v3 =	vperm.xlane v3, v2;
	v4 =	vadd.s32 v1, v4;
	_ =	sdelay $0x1  }
0x58: {  	v3 =	vadd.s32 v1, v3;
	_ =	sdelay $0x1  }
0x59: {  	s0 =	rddreg [dreg:$0xd]  }
0x5a: {  	[tilespmem:s0], [sflag:$0x1] =	stream.indirect_vreg.gather [hbm4b:s1+s3], $0x80, v4, vm0, $0xb8;
	[tilespmem:$0x16180] =	vst v63  }
0x5b: {  	s7 =	rddreg [dreg:$0xe]  }
0x5c: {  	[tilespmem:s7], [sflag:$0x1] =	stream.indirect_vreg.gather [hbm4b:s1+s3], $0x80, v3, vm0, $0xb8;
	[tilespmem:$0x16180] =	vst v63  }
0x5d: {  	v3 =	vld.msk [tilespmem:$0x50], $0xff;
	_ =	sdelay $0x4  }
0x5e: {  	v45 =	vshll.u32 v3, $0x1  }
0x5f: {  	v3 =	vand.u32 $0x7, v3;
	v4 =	vand.u32 $0xFFFFFFF0, v45  }
0x60: {  	v3 =	vor.u32 v3, v4  }
0x61: {  	v3 =	vperm.xlane v3, v0;
	_ =	sdelay $0x1  }
0x62: {  	v3 =	vadd.s32 v1, v3;
	_ =	sdelay $0x3  }
0x63: {  	s7 =	rddreg [dreg:$0xf]  }
0x64: {  	[tilespmem:s7], [sflag:$0x1] =	stream.indirect_vreg.gather [hbm4b:s1+s3], $0x80, v3, vm0, $0xb8;
	[tilespmem:$0x16180] =	vst v63  }
0x65: {  	v3 =	vld [tilespmem:$0x58];
	_ =	sdelay $0x4  }
0x66: {  	v46 =	vshll.u32 v3, $0x1  }
0x67: {  	v3 =	vand.u32 $0x7, v3;
	v4 =	vand.u32 $0xFFFFFFF0, v46  }
0x68: {  	v3 =	vor.u32 v3, v4  }
0x69: {  	v4 =	vperm.xlane v3, v0;
	_ =	sdelay $0x1  }
0x6a: {  	v3 =	vperm.xlane v3, v2;
	v4 =	vadd.s32 v1, v4;
	_ =	sdelay $0x1  }
0x6b: {  	v3 =	vadd.s32 v1, v3;
	_ =	sdelay $0x1  }
0x6c: {  	s0 =	rddreg [dreg:$0x10]  }
0x6d: {  	[tilespmem:s0], [sflag:$0x1] =	stream.indirect_vreg.gather [hbm4b:s1+s3], $0x80, v4, vm0, $0xb8;
	[tilespmem:$0x16180] =	vst v63  }
0x6e: {  	s7 =	rddreg [dreg:$0x11]  }
0x6f: {  	[tilespmem:s7], [sflag:$0x1] =	stream.indirect_vreg.gather [hbm4b:s1+s3], $0x80, v3, vm0, $0xb8;
	[tilespmem:$0x16180] =	vst v63  }
0x70: {  	v3 =	vld [tilespmem:$0x68];
	_ =	sdelay $0x4  }
0x71: {  	v47 =	vshll.u32 v3, $0x1  }
0x72: {  	v3 =	vand.u32 $0x7, v3;
	v4 =	vand.u32 $0xFFFFFFF0, v47  }
0x73: {  	v3 =	vor.u32 v3, v4  }
0x74: {  	v4 =	vperm.xlane v3, v0;
	_ =	sdelay $0x1  }
0x75: {  	v3 =	vperm.xlane v3, v2;
	v4 =	vadd.s32 v1, v4;
	_ =	sdelay $0x1  }
0x76: {  	v3 =	vadd.s32 v1, v3;
	_ =	sdelay $0x1  }
0x77: {  	s0 =	rddreg [dreg:$0x12]  }
0x78: {  	[tilespmem:s0], [sflag:$0x1] =	stream.indirect_vreg.gather [hbm4b:s1+s3], $0x80, v4, vm0, $0xb8;
	[tilespmem:$0x16180] =	vst v63  }
0x79: {  	s7 =	rddreg [dreg:$0x13]  }
0x7a: {  	[tilespmem:s7], [sflag:$0x1] =	stream.indirect_vreg.gather [hbm4b:s1+s3], $0x80, v3, vm0, $0xb8;
	[tilespmem:$0x16180] =	vst v63  }
0x7b: {  	v3 =	vld [tilespmem:$0x78];
	_ =	sdelay $0x4  }
0x7c: {  	v48 =	vshll.u32 v3, $0x1  }
0x7d: {  	v3 =	vand.u32 $0x7, v3;
	v4 =	vand.u32 $0xFFFFFFF0, v48  }
0x7e: {  	v3 =	vor.u32 v3, v4  }
0x7f: {  	v4 =	vperm.xlane v3, v0;
	_ =	sdelay $0x1  }
0x80: {  	v3 =	vperm.xlane v3, v2;
	v4 =	vadd.s32 v1, v4;
	_ =	sdelay $0x1  }
0x81: {  	v3 =	vadd.s32 v1, v3;
	_ =	sdelay $0x1  }
0x82: {  	s0 =	rddreg [dreg:$0x14]  }
0x83: {  	[tilespmem:s0], [sflag:$0x1] =	stream.indirect_vreg.gather [hbm4b:s1+s3], $0x80, v4, vm0, $0xb8;
	[tilespmem:$0x16180] =	vst v63  }
0x84: {  	s7 =	rddreg [dreg:$0x15]  }
0x85: {  	[tilespmem:s7], [sflag:$0x1] =	stream.indirect_vreg.gather [hbm4b:s1+s3], $0x80, v3, vm0, $0xb8;
	[tilespmem:$0x16180] =	vst v63  }
0x86: {  	v3 =	vld [tilespmem:$0x88];
	_ =	sdelay $0x4  }
0x87: {  	v49 =	vshll.u32 v3, $0x1  }
0x88: {  	v3 =	vand.u32 $0x7, v3;
	v4 =	vand.u32 $0xFFFFFFF0, v49  }
0x89: {  	v3 =	vor.u32 v3, v4  }
0x8a: {  	v4 =	vperm.xlane v3, v0;
	_ =	sdelay $0x1  }
0x8b: {  	v3 =	vperm.xlane v3, v2;
	v4 =	vadd.s32 v1, v4;
	_ =	sdelay $0x1  }
0x8c: {  	v3 =	vadd.s32 v1, v3;
	_ =	sdelay $0x1  }
0x8d: {  	s0 =	rddreg [dreg:$0x16]  }
0x8e: {  	[tilespmem:s0], [sflag:$0x1] =	stream.indirect_vreg.gather [hbm4b:s1+s3], $0x80, v4, vm0, $0xb8;
	[tilespmem:$0x16180] =	vst v63  }
0x8f: {  	s7 =	rddreg [dreg:$0x17]  }
0x90: {  	[tilespmem:s7], [sflag:$0x1] =	stream.indirect_vreg.gather [hbm4b:s1+s3], $0x80, v3, vm0, $0xb8;
	[tilespmem:$0x16180] =	vst v63  }
0x91: {  	v3 =	vld [tilespmem:$0x98];
	_ =	sdelay $0x4  }
0x92: {  	v50 =	vshll.u32 v3, $0x1  }
0x93: {  	v3 =	vand.u32 $0x7, v3;
	v4 =	vand.u32 $0xFFFFFFF0, v50  }
0x94: {  	v3 =	vor.u32 v3, v4  }
0x95: {  	v4 =	vperm.xlane v3, v0;
	_ =	sdelay $0x1  }
0x96: {  	v3 =	vperm.xlane v3, v2;
	v4 =	vadd.s32 v1, v4;
	_ =	sdelay $0x1  }
0x97: {  	v3 =	vadd.s32 v1, v3;
	_ =	sdelay $0x1  }
0x98: {  	s7 =	rddreg [dreg:$0x18]  }
0x99: {  	[tilespmem:s7], [sflag:$0x1] =	stream.indirect_vreg.gather [hbm4b:s1+s3], $0x80, v4, vm0, $0xb8;
	[tilespmem:$0x16180] =	vst v63  }
0x9a: {  	s7 =	simm.s32 $0xA180  }
0x9b: {  	[tilespmem:s7], [sflag:$0x1] =	stream.indirect_vreg.gather [hbm4b:s1+s3], $0x80, v3, vm0, $0xb8;
	[tilespmem:$0x16180] =	vst v63  }
0x9c: {  	v3 =	vld.msk [tilespmem:$0xA8], $0xff;
	_ =	sdelay $0x4  }
0x9d: {  	v51 =	vshll.u32 v3, $0x1  }
0x9e: {  	v3 =	vand.u32 $0x7, v3;
	v4 =	vand.u32 $0xFFFFFFF0, v51  }
0x9f: {  	v3 =	vor.u32 v3, v4  }
0xa0: {  	v3 =	vperm.xlane v3, v0;
	_ =	sdelay $0x1  }
0xa1: {  	v3 =	vadd.s32 v1, v3;
	_ =	sdelay $0x4  }
0xa2: {  	[tilespmem:s8], [sflag:$0x1] =	stream.indirect_vreg.gather [hbm4b:s1+s3], $0x80, v3, vm0, $0xb8;
	[tilespmem:$0x16180] =	vst v63  }
0xa3: {  	v3 =	vld [tilespmem:$0xB0];
	_ =	sdelay $0x4  }
0xa4: {  	v52 =	vshll.u32 v3, $0x1  }
0xa5: {  	v3 =	vand.u32 $0x7, v3;
	v4 =	vand.u32 $0xFFFFFFF0, v52  }
0xa6: {  	v3 =	vor.u32 v3, v4  }
0xa7: {  	v4 =	vperm.xlane v3, v0;
	_ =	sdelay $0x1  }
0xa8: {  	v3 =	vperm.xlane v3, v2;
	v4 =	vadd.s32 v1, v4;
	_ =	sdelay $0x1  }
0xa9: {  	v3 =	vadd.s32 v1, v3;
	_ =	sdelay $0x2  }
0xaa: {  	[tilespmem:s9], [sflag:$0x1] =	stream.indirect_vreg.gather [hbm4b:s1+s3], $0x80, v4, vm0, $0xb8;
	[tilespmem:$0x16180] =	vst v63  }
0xab: {  	_ = 	snop  }
0xac: {  	[tilespmem:s10], [sflag:$0x1] =	stream.indirect_vreg.gather [hbm4b:s1+s3], $0x80, v3, vm0, $0xb8;
	[tilespmem:$0x16180] =	vst v63  }
0xad: {  	v3 =	vld [tilespmem:$0xC0];
	_ =	sdelay $0x4  }
0xae: {  	v53 =	vshll.u32 v3, $0x1  }
0xaf: {  	v3 =	vand.u32 $0x7, v3;
	v4 =	vand.u32 $0xFFFFFFF0, v53  }
0xb0: {  	v3 =	vor.u32 v3, v4  }
0xb1: {  	v4 =	vperm.xlane v3, v0;
	_ =	sdelay $0x1  }
0xb2: {  	v3 =	vperm.xlane v3, v2;
	v4 =	vadd.s32 v1, v4;
	_ =	sdelay $0x1  }
0xb3: {  	v3 =	vadd.s32 v1, v3;
	_ =	sdelay $0x2  }
0xb4: {  	[tilespmem:s11], [sflag:$0x1] =	stream.indirect_vreg.gather [hbm4b:s1+s3], $0x80, v4, vm0, $0xb8;
	[tilespmem:$0x16180] =	vst v63  }
0xb5: {  	_ = 	snop  }
0xb6: {  	[tilespmem:s12], [sflag:$0x1] =	stream.indirect_vreg.gather [hbm4b:s1+s3], $0x80, v3, vm0, $0xb8;
	[tilespmem:$0x16180] =	vst v63  }
0xb7: {  	v3 =	vld [tilespmem:$0xD0];
	_ =	sdelay $0x4  }
0xb8: {  	v54 =	vshll.u32 v3, $0x1  }
0xb9: {  	v3 =	vand.u32 $0x7, v3;
	v4 =	vand.u32 $0xFFFFFFF0, v54  }
0xba: {  	v3 =	vor.u32 v3, v4  }
0xbb: {  	v4 =	vperm.xlane v3, v0;
	_ =	sdelay $0x1  }
0xbc: {  	v3 =	vperm.xlane v3, v2;
	v4 =	vadd.s32 v1, v4;
	_ =	sdelay $0x1  }
0xbd: {  	v3 =	vadd.s32 v1, v3;
	_ =	sdelay $0x2  }
0xbe: {  	[tilespmem:s13], [sflag:$0x1] =	stream.indirect_vreg.gather [hbm4b:s1+s3], $0x80, v4, vm0, $0xb8;
	[tilespmem:$0x16180] =	vst v63  }
0xbf: {  	_ = 	snop  }
0xc0: {  	[tilespmem:s14], [sflag:$0x1] =	stream.indirect_vreg.gather [hbm4b:s1+s3], $0x80, v3, vm0, $0xb8;
	[tilespmem:$0x16180] =	vst v63  }
0xc1: {  	v3 =	vld [tilespmem:$0xE0];
	_ =	sdelay $0x4  }
0xc2: {  	v55 =	vshll.u32 v3, $0x1  }
0xc3: {  	v3 =	vand.u32 $0x7, v3;
	v4 =	vand.u32 $0xFFFFFFF0, v55  }
0xc4: {  	v3 =	vor.u32 v3, v4  }
0xc5: {  	v4 =	vperm.xlane v3, v0;
	_ =	sdelay $0x1  }
0xc6: {  	v3 =	vperm.xlane v3, v2;
	v4 =	vadd.s32 v1, v4;
	_ =	sdelay $0x1  }
0xc7: {  	v3 =	vadd.s32 v1, v3;
	_ =	sdelay $0x2  }
0xc8: {  	[tilespmem:s15], [sflag:$0x1] =	stream.indirect_vreg.gather [hbm4b:s1+s3], $0x80, v4, vm0, $0xb8;
	[tilespmem:$0x16180] =	vst v63  }
0xc9: {  	_ = 	snop  }
0xca: {  	[tilespmem:s16], [sflag:$0x1] =	stream.indirect_vreg.gather [hbm4b:s1+s3], $0x80, v3, vm0, $0xb8;
	[tilespmem:$0x16180] =	vst v63  }
0xcb: {  	v3 =	vld [tilespmem:$0xF0];
	_ =	sdelay $0x4  }
0xcc: {  	v56 =	vshll.u32 v3, $0x1  }
0xcd: {  	v3 =	vand.u32 $0x7, v3;
	v4 =	vand.u32 $0xFFFFFFF0, v56  }
0xce: {  	v3 =	vor.u32 v3, v4  }
0xcf: {  	v4 =	vperm.xlane v3, v0;
	_ =	sdelay $0x1  }
0xd0: {  	v3 =	vperm.xlane v3, v2;
	v4 =	vadd.s32 v1, v4;
	_ =	sdelay $0x1  }
0xd1: {  	v3 =	vadd.s32 v1, v3;
	_ =	sdelay $0x2  }
0xd2: {  	[tilespmem:s17], [sflag:$0x1] =	stream.indirect_vreg.gather [hbm4b:s1+s3], $0x80, v4, vm0, $0xb8;
	[tilespmem:$0x16180] =	vst v63  }
0xd3: {  	_ = 	snop  }
0xd4: {  	[tilespmem:s18], [sflag:$0x1] =	stream.indirect_vreg.gather [hbm4b:s1+s3], $0x80, v3, vm0, $0xb8;
	[tilespmem:$0x16180] =	vst v63  }
0xd5: {  	v3 =	vld.msk [tilespmem:$0x100], $0xff;
	_ =	sdelay $0x4  }
0xd6: {  	v57 =	vshll.u32 v3, $0x1  }
0xd7: {  	v3 =	vand.u32 $0x7, v3;
	v4 =	vand.u32 $0xFFFFFFF0, v57  }
0xd8: {  	v3 =	vor.u32 v3, v4  }
0xd9: {  	v3 =	vperm.xlane v3, v0;
	_ =	sdelay $0x1  }
0xda: {  	v3 =	vadd.s32 v1, v3;
	_ =	sdelay $0x4  }
0xdb: {  	[tilespmem:s19], [sflag:$0x1] =	stream.indirect_vreg.gather [hbm4b:s1+s3], $0x80, v3, vm0, $0xb8;
	[tilespmem:$0x16180] =	vst v63  }
0xdc: {  	v3 =	vld [tilespmem:$0x108];
	_ =	sdelay $0x4  }
0xdd: {  	v58 =	vshll.u32 v3, $0x1  }
0xde: {  	v3 =	vand.u32 $0x7, v3;
	v4 =	vand.u32 $0xFFFFFFF0, v58  }
0xdf: {  	v3 =	vor.u32 v3, v4  }
0xe0: {  	v4 =	vperm.xlane v3, v0;
	_ =	sdelay $0x1  }
0xe1: {  	v3 =	vperm.xlane v3, v2;
	v4 =	vadd.s32 v1, v4;
	_ =	sdelay $0x1  }
0xe2: {  	v3 =	vadd.s32 v1, v3;
	_ =	sdelay $0x2  }
0xe3: {  	[tilespmem:s20], [sflag:$0x1] =	stream.indirect_vreg.gather [hbm4b:s1+s3], $0x80, v4, vm0, $0xb8;
	[tilespmem:$0x16180] =	vst v63  }
0xe4: {  	_ = 	snop  }
0xe5: {  	[tilespmem:s21], [sflag:$0x1] =	stream.indirect_vreg.gather [hbm4b:s1+s3], $0x80, v3, vm0, $0xb8;
	[tilespmem:$0x16180] =	vst v63  }
0xe6: {  	v3 =	vld [tilespmem:$0x118];
	_ =	sdelay $0x4  }
0xe7: {  	v59 =	vshll.u32 v3, $0x1  }
0xe8: {  	v3 =	vand.u32 $0x7, v3;
	v4 =	vand.u32 $0xFFFFFFF0, v59  }
0xe9: {  	v3 =	vor.u32 v3, v4  }
0xea: {  	v4 =	vperm.xlane v3, v0;
	_ =	sdelay $0x1  }
0xeb: {  	v3 =	vperm.xlane v3, v2;
	v4 =	vadd.s32 v1, v4;
	_ =	sdelay $0x1  }
0xec: {  	v3 =	vadd.s32 v1, v3;
	_ =	sdelay $0x2  }
0xed: {  	[tilespmem:s22], [sflag:$0x1] =	stream.indirect_vreg.gather [hbm4b:s1+s3], $0x80, v4, vm0, $0xb8;
	[tilespmem:$0x16180] =	vst v63  }
0xee: {  	_ = 	snop  }
0xef: {  	[tilespmem:s23], [sflag:$0x1] =	stream.indirect_vreg.gather [hbm4b:s1+s3], $0x80, v3, vm0, $0xb8;
	[tilespmem:$0x16180] =	vst v63  }
0xf0: {  	v3 =	vld [tilespmem:$0x128];
	_ =	sdelay $0x4  }
0xf1: {  	v60 =	vshll.u32 v3, $0x1  }
0xf2: {  	v3 =	vand.u32 $0x7, v3;
	v4 =	vand.u32 $0xFFFFFFF0, v60  }
0xf3: {  	v3 =	vor.u32 v3, v4  }
0xf4: {  	v4 =	vperm.xlane v3, v0;
	_ =	sdelay $0x1  }
0xf5: {  	v3 =	vperm.xlane v3, v2;
	v4 =	vadd.s32 v1, v4;
	_ =	sdelay $0x1  }
0xf6: {  	v3 =	vadd.s32 v1, v3;
	_ =	sdelay $0x2  }
0xf7: {  	[tilespmem:s24], [sflag:$0x1] =	stream.indirect_vreg.gather [hbm4b:s1+s3], $0x80, v4, vm0, $0xb8;
	[tilespmem:$0x16180] =	vst v63  }
0xf8: {  	_ = 	snop  }
0xf9: {  	[tilespmem:s25], [sflag:$0x1] =	stream.indirect_vreg.gather [hbm4b:s1+s3], $0x80, v3, vm0, $0xb8;
	[tilespmem:$0x16180] =	vst v63  }
0xfa: {  	v3 =	vld [tilespmem:$0x138];
	_ =	sdelay $0x4  }
0xfb: {  	v61 =	vshll.u32 v3, $0x1  }
0xfc: {  	v3 =	vand.u32 $0x7, v3;
	v4 =	vand.u32 $0xFFFFFFF0, v61  }
0xfd: {  	v3 =	vor.u32 v3, v4  }
0xfe: {  	v4 =	vperm.xlane v3, v0;
	_ =	sdelay $0x1  }
0xff: {  	v3 =	vperm.xlane v3, v2;
	v4 =	vadd.s32 v1, v4;
	_ =	sdelay $0x1  }
0x100: {  	v3 =	vadd.s32 v1, v3;
	_ =	sdelay $0x2  }
0x101: {  	[tilespmem:s26], [sflag:$0x1] =	stream.indirect_vreg.gather [hbm4b:s1+s3], $0x80, v4, vm0, $0xb8;
	[tilespmem:$0x16180] =	vst v63  }
0x102: {  	_ = 	snop  }
0x103: {  	[tilespmem:s28], [sflag:$0x1] =	stream.indirect_vreg.gather [hbm4b:s1+s3], $0x80, v3, vm0, $0xb8;
	[tilespmem:$0x16180] =	vst v63  }
0x104: {  	v3 =	vld [tilespmem:$0x148];
	_ =	sdelay $0x4  }
0x105: {  	v62 =	vshll.u32 v3, $0x1  }
0x106: {  	v3 =	vand.u32 $0x7, v3;
	v4 =	vand.u32 $0xFFFFFFF0, v62  }
0x107: {  	v3 =	vor.u32 v3, v4  }
0x108: {  	v4 =	vperm.xlane v3, v0;
	_ =	sdelay $0x1  }
0x109: {  	v3 =	vperm.xlane v3, v2;
	v4 =	vadd.s32 v1, v4;
	_ =	sdelay $0x1  }
0x10a: {  	v3 =	vadd.s32 v1, v3;
	_ =	sdelay $0x2  }
0x10b: {  	[tilespmem:s29], [sflag:$0x1] =	stream.indirect_vreg.gather [hbm4b:s1+s3], $0x80, v4, vm0, $0xb8;
	[tilespmem:$0x16180] =	vst v63  }
0x10c: {  	_ = 	snop  }
0x10d: {  	[tilespmem:s30], [sflag:$0x1] =	stream.indirect_vreg.gather [hbm4b:s1+s3], $0x80, v3, vm0, $0xb8;
	[tilespmem:$0x16180] =	vst v63  }
0x10e: {  	v3 =	vld.msk [tilespmem:$0x158], $0xff;
	_ =	sdelay $0x4  }
0x10f: {  	v63 =	vshll.u32 v3, $0x1  }
0x110: {  	v3 =	vand.u32 $0x7, v3;
	v4 =	vand.u32 $0xFFFFFFF0, v63  }
0x111: {  	v3 =	vor.u32 v3, v4  }
0x112: {  	v3 =	vperm.xlane v3, v0;
	_ =	sdelay $0x1  }
0x113: {  	v3 =	vadd.s32 v1, v3;
	_ =	sdelay $0x4  }
0x114: {  	[tilespmem:s31], [sflag:$0x1] =	stream.indirect_vreg.gather [hbm4b:s1+s3], $0x80, v3, vm0, $0xb8;
	[tilespmem:$0x16180] =	vst v63  }
0x115: {  	_ =	swait.ge [sflag:s2], $0x5800  }
0x116: {  	[sflag:s2] =	ssyncset.done $0x0  }
0x117: {  	[sflag:s2] =	ssyncadd.s32 $0xFFFFA800  }
0x118: {  	_ =	swait.ge [sflag:s2], $0x5800  }
0x119: {  	[sflag:s2] =	ssyncset.done $0x0  }
0x11a: {  	[sflag:s2] =	ssyncadd.s32 $0xFFFFA800  }
0x11b: {  	_ =	swait.ge [sflag:s2], $0x5800  }
0x11c: {  	[sflag:s2] =	ssyncset.done $0x0  }
0x11d: {  	[sflag:s2] =	ssyncadd.s32 $0xFFFFA800  }
0x11e: {  	_ =	swait.ge [sflag:s2], $0x5800  }
0x11f: {  	p0 =	sne.s32 s4, $0x1;
	[sflag:s2] =	ssyncset.done $0x0  }
.Ltmp0:
0x120: {  	s7 =	rddreg [dreg:$0x5];
	[sflag:s2] =	ssyncadd.s32 $0xFFFFA800;
	(pc) =	sbr.rel @p0 .LBB2_1-.Ltmp0, $4  }
0x121: {  	[hbm4b:s7+s3] =	stream.linear.scatter [tilespmem:s6], [sflag:$0x2], $0x16000, $0x38;
	[tilespmem:$0x16180] =	vst v63  }
0x122: {  	_ =	swait.ge [sflag:s5], $0x16000  }
0x123: {  	[sflag:s5] =	ssyncset.done $0x0  }
0x124: {  	s4 =	sadd.s32 $0xFFFFFFFF, s4;
	[sflag:s5] =	ssyncadd.s32 $0xFFFEA000  }
0x125: {  	_ =	sfence.sel $0x180000  }
0x126: {  	[bflag:$0x0] =	sbarrier.arrive $0xFFFF  }
0x127: {  	_ =	strace $0x90000047  }
0x128: {  	s0 =	stileid.u32;
	[bflag:$0x2] =	sbarrier.arrive $0xFFFF  }
0x129: {  	p0 =	sne.s32 s0, $0x0;
	s0 =	rddreg [dreg:$0x3]  }
0x12a: {  	s0 =	sadd.s32 @!p0 $0x100000, s0  }
0x12b: {  	[sflag:s0] =	ssyncadd.tile.s32 @!p0 $0x1;
	_ =	shalt  }
.Lfunc_end2:
_tile_overlayer_lowered:
.L_overlay_start_2:
0x12c: {  	(tag) =	ssettag $0x2  }
0x12d: {  	s0 =	rddreg [dreg:$0x0];
	s2 =	stileid.u32  }
0x12e: {  	s1 =	rddreg [dreg:$0x1];
	p0 =	sne.s32 s2, $0x0  }
0x12f: {  	s3 =	rddreg [dreg:$0x2];
	[bflag:$0x3] =	sbarrier.arrive $0xFFFF;
	s2 =	simm.s32 @!p0 $0x1C02  }
0x130: {  	[timem:s3], [sflag:s2] =	dma.local @!p0 [hbm:s0], s1  }
0x131: {  	s0 =	simm.s32 @!p0 $0x2  }
0x132: {  	_ =	swait.ge @!p0 [sflag:s0], s1  }
0x133: {  	s1 =	ssub.s32 @!p0 $0x0, s1;
	[sflag:s0] =	ssyncset.done @!p0 $0x0  }
0x134: {  	[sflag:s0] =	ssyncadd.s32 @!p0 s1  }
0x135: {  	[bflag:$0x3] =	sbarrier.arrive $0xFFFF  }
0x136: {  	_ =	shalt  }

</sc_bundles>
